<compile_context>
chip_gen: v7x
topology: tpu7x:2x2x1
jax: 0.10.2.dev20260603
libtpu: 0.0.44.dev20260713+nightly
codegen_flags: <defaults>
</compile_context>

<pallas_src>
import functools

import jax
import jax.numpy as jnp
from jax import lax
from jax.experimental import pallas as pl
from jax.experimental.pallas import tpu as pltpu
from jax.experimental.pallas import tpu_sc as plsc

D_MODEL = 128
N_ROWS = 4096 * 200
NC, NS = 2, 16
NW = NC * NS
ROWS_PER_W = N_ROWS // NW
CHUNK = 128
NCHUNK = ROWS_PER_W // CHUNK
NBUF = 5
MAX_ROWS = 398


@functools.partial(
    pl.kernel,
    out_type=jax.ShapeDtypeStruct((N_ROWS, D_MODEL), jnp.float32),
    mesh=plsc.VectorSubcoreMesh(core_axis_name="c", subcore_axis_name="s"),
    scratch_types=[
        pltpu.VMEM((NCHUNK, CHUNK), jnp.int32),
        pltpu.VMEM_SHARED((MAX_ROWS, D_MODEL), jnp.float32),
        [pltpu.VMEM((CHUNK, D_MODEL), jnp.float32) for _ in range(NBUF)],
        [pltpu.SemaphoreType.DMA for _ in range(NBUF)],
        [pltpu.SemaphoreType.DMA for _ in range(NBUF)],
    ],
)
def _gather_rows(idx_hbm, pe_hbm, out_hbm, idx_v, table_sh, rows, gsems, ssems):
    wid = lax.axis_index("s") * NC + lax.axis_index("c")
    base = wid * ROWS_PER_W

    @pl.when(lax.axis_index("s") == 0)
    def _():
        pltpu.sync_copy(pe_hbm, table_sh)

    pltpu.sync_copy(idx_hbm.at[wid], idx_v)
    plsc.subcore_barrier()

    def table_src(b):
        return table_sh

    for b in range(NBUF - 1):
        pltpu.async_copy(table_src(b).at[idx_v.at[b]], rows[b], gsems[b])

    def out_slice(j):
        return out_hbm.at[pl.ds(base + j * CHUNK, CHUNK)]

    def step(j0, carry):
        for b in range(NBUF):
            j = j0 * NBUF + b
            pltpu.make_async_copy(table_src(b).at[idx_v.at[j]], rows[b], gsems[b]).wait()
            pltpu.async_copy(rows[b], out_slice(j), ssems[b])
            g = j + NBUF - 1
            bg = (b - 1) % NBUF

            @pl.when(jnp.logical_and(g < NCHUNK, j > 0))
            def _():
                pltpu.make_async_copy(rows[bg], out_slice(g - NBUF), ssems[bg]).wait()
                pltpu.async_copy(table_src(bg).at[idx_v.at[g]], rows[bg], gsems[bg])

            @pl.when(jnp.logical_and(g < NCHUNK, j == 0))
            def _():
                pltpu.async_copy(table_src(bg).at[idx_v.at[g]], rows[bg], gsems[bg])

        return carry

    lax.fori_loop(0, NCHUNK // NBUF, step, 0)

    for b in range(NBUF):
        j = NCHUNK - NBUF + b
        pltpu.make_async_copy(rows[b], out_slice(j), ssems[b]).wait()


def kernel(days, pe):
    idx = days.reshape(NW, NCHUNK, CHUNK)
    out = _gather_rows(idx, pe)
    return out.reshape(days.shape[0], days.shape[1], D_MODEL)

# --- scband reference (transcript-rebuilt; emitter-appended) ---
"""Pipeline reference for scband-positional-encoding-53936199303395 (READ-ONLY COPY).

The authoritative reference and input builder live on the scoring server;
editing this copy changes nothing except your own understanding.
"""

import math
import jax, jax.numpy as jnp
import numpy as np

D_MODEL = 128
TAU = 10000.0
MAX_LEN = 397
BATCH = 4096
HIST = 200

def _build_pe():
    pe = np.zeros((MAX_LEN + 1, D_MODEL), dtype=np.float32)
    position = np.arange(0, MAX_LEN, dtype=np.float32)[:, None]
    div_term = np.exp(np.arange(0, D_MODEL, 2, dtype=np.float32) * -(math.log(TAU) / D_MODEL))
    pe[1:, 0::2] = np.sin(position * div_term)
    pe[1:, 1::2] = np.cos(position * div_term)
    return jnp.asarray(pe)

def setup_inputs(seed: int = 0) -> dict:
    key = jax.random.key(seed)
    days = jax.random.randint(key, (BATCH, HIST), 0, MAX_LEN + 1, dtype=jnp.int32)
    pe = _build_pe()
    return {"days": days, "pe": pe}

def reference(days, pe):
    # torch.index_select(pe, 0, days[i]) stacked over batch == pe[days]
    return jnp.take(pe, days, axis=0)

if __name__ == "__main__":
    import jax
    _d = setup_inputs()
    print(jax.jit(kernel)(*tuple(_d.values())))

</pallas_src>

<mosaic_0001>
#map = affine_map<(d0, d1) -> (0, 0, 0)>
#map1 = affine_map<(d0, d1) -> (0, 0)>
module attributes {stable_mosaic.version = 14 : i64} {
  func.func @_gather_rows(%arg0: i32, %arg1: i32, %arg2: memref<32x200x128xi32, #tpu.memory_space<hbm>>, %arg3: memref<398x128xf32, #tpu.memory_space<hbm>>, %arg4: memref<819200x128xf32, #tpu.memory_space<hbm>>, %arg5: memref<200x128xi32, #tpu.memory_space<vmem>>, %arg6: memref<398x128xf32, #tpu.memory_space<vmem_shared>>, %arg7: memref<128x128xf32, #tpu.memory_space<vmem>>, %arg8: memref<128x128xf32, #tpu.memory_space<vmem>>, %arg9: memref<128x128xf32, #tpu.memory_space<vmem>>, %arg10: memref<128x128xf32, #tpu.memory_space<vmem>>, %arg11: memref<128x128xf32, #tpu.memory_space<vmem>>, %arg12: memref<!tpu.dma_semaphore, #tpu.memory_space<semaphore_mem>>, %arg13: memref<!tpu.dma_semaphore, #tpu.memory_space<semaphore_mem>>, %arg14: memref<!tpu.dma_semaphore, #tpu.memory_space<semaphore_mem>>, %arg15: memref<!tpu.dma_semaphore, #tpu.memory_space<semaphore_mem>>, %arg16: memref<!tpu.dma_semaphore, #tpu.memory_space<semaphore_mem>>, %arg17: memref<!tpu.dma_semaphore, #tpu.memory_space<semaphore_mem>>, %arg18: memref<!tpu.dma_semaphore, #tpu.memory_space<semaphore_mem>>, %arg19: memref<!tpu.dma_semaphore, #tpu.memory_space<semaphore_mem>>, %arg20: memref<!tpu.dma_semaphore, #tpu.memory_space<semaphore_mem>>, %arg21: memref<!tpu.dma_semaphore, #tpu.memory_space<semaphore_mem>>) attributes {dimension_semantics = [#tpu.dimension_semantics<core_parallel>, #tpu.dimension_semantics<subcore_parallel>], iteration_bounds = array<i64: 2, 16>, scalar_prefetch = 0 : i64, scratch_operands = 17 : i64, tpu.core_type = #tpu.core_type<sc_vector_subcore>, window_params = [{transform_indices = #map}, {transform_indices = #map1}, {transform_indices = #map1}]} {
    %mul3A = arith.constant 2 : i32
    %mul3A_0 = arith.muli %arg1, %mul3A : i32
    %add3A = arith.addi %mul3A_0, %arg0 : i32
    %mul3A_1 = arith.constant 25600 : i32
    %mul3A_2 = arith.muli %add3A, %mul3A_1 : i32
    %eq3A = arith.constant 0 : i32
    %eq3A_3 = arith.cmpi eq, %arg1, %eq3A : i32
    %convert_element_type3A = arith.extui %eq3A_3 : i1 to i32
    %cond3A = arith.constant 0 : i32
    %cond3A_4 = arith.cmpi ne, %convert_element_type3A, %cond3A : i32
    scf.if %cond3A_4 {
      "tpu.region"() ({
        %run_scoped3A = tpu.sem_alloc : memref<!tpu.dma_semaphore, #tpu.memory_space<semaphore_mem>>
        tpu.enqueue_dma source(%arg3 : memref<398x128xf32, #tpu.memory_space<hbm>>) target(%arg6 : memref<398x128xf32, #tpu.memory_space<vmem_shared>>) target_semaphore(%run_scoped3A : memref<!tpu.dma_semaphore, #tpu.memory_space<semaphore_mem>>)
        tpu.wait_dma2 semaphore(%run_scoped3A : memref<!tpu.dma_semaphore, #tpu.memory_space<semaphore_mem>>) src(%arg3 : memref<398x128xf32, #tpu.memory_space<hbm>>) dst(%arg6 : memref<398x128xf32, #tpu.memory_space<vmem_shared>>)
        tpu.yield
      }) : () -> ()
    } else {
    }
    "tpu.region"() ({
      %run_scoped3A = tpu.sem_alloc : memref<!tpu.dma_semaphore, #tpu.memory_space<semaphore_mem>>
      %dma_start3A_66 = arith.constant 0 : i32
      %dma_start3A_67 = arith.constant 0 : i32
      %dma_start3A_68 = tpu.memref_slice %arg2[%add3A, %dma_start3A_66, %dma_start3A_67] : memref<32x200x128xi32, #tpu.memory_space<hbm>> -> memref<1x200x128xi32, #tpu.memory_space<hbm>>
      %dma_start3A_69 = tpu.memref_squeeze %dma_start3A_68 : memref<1x200x128xi32, #tpu.memory_space<hbm>> -> memref<200x128xi32, #tpu.memory_space<hbm>>
      %dma_start3A_70 = arith.constant 0 : i32
      %dma_start3A_71 = arith.constant 0 : i32
      %dma_start3A_72 = tpu.memref_slice %arg2[%add3A, %dma_start3A_70, %dma_start3A_71] : memref<32x200x128xi32, #tpu.memory_space<hbm>> -> memref<1x200x128xi32, #tpu.memory_space<hbm>>
      %dma_start3A_73 = tpu.memref_squeeze %dma_start3A_72 : memref<1x200x128xi32, #tpu.memory_space<hbm>> -> memref<200x128xi32, #tpu.memory_space<hbm>>
      tpu.enqueue_dma source(%dma_start3A_73 : memref<200x128xi32, #tpu.memory_space<hbm>>) target(%arg5 : memref<200x128xi32, #tpu.memory_space<vmem>>) target_semaphore(%run_scoped3A : memref<!tpu.dma_semaphore, #tpu.memory_space<semaphore_mem>>)
      %dma_wait3A_74 = arith.constant 0 : i32
      %dma_wait3A_75 = arith.constant 0 : i32
      %dma_wait3A_76 = tpu.memref_slice %arg2[%add3A, %dma_wait3A_74, %dma_wait3A_75] : memref<32x200x128xi32, #tpu.memory_space<hbm>> -> memref<1x200x128xi32, #tpu.memory_space<hbm>>
      %dma_wait3A_77 = tpu.memref_squeeze %dma_wait3A_76 : memref<1x200x128xi32, #tpu.memory_space<hbm>> -> memref<200x128xi32, #tpu.memory_space<hbm>>
      %dma_wait3A_78 = arith.constant 0 : i32
      %dma_wait3A_79 = arith.constant 0 : i32
      %dma_wait3A_80 = tpu.memref_slice %arg2[%add3A, %dma_wait3A_78, %dma_wait3A_79] : memref<32x200x128xi32, #tpu.memory_space<hbm>> -> memref<1x200x128xi32, #tpu.memory_space<hbm>>
      %dma_wait3A_81 = tpu.memref_squeeze %dma_wait3A_80 : memref<1x200x128xi32, #tpu.memory_space<hbm>> -> memref<200x128xi32, #tpu.memory_space<hbm>>
      tpu.wait_dma2 semaphore(%run_scoped3A : memref<!tpu.dma_semaphore, #tpu.memory_space<semaphore_mem>>) src(%dma_wait3A_81 : memref<200x128xi32, #tpu.memory_space<hbm>>) dst(%arg5 : memref<200x128xi32, #tpu.memory_space<vmem>>)
      tpu.yield
    }) : () -> ()
    %barrier3A = arith.constant 0 : index
    tpu.barrier barrier_id(%barrier3A)
    %dma_start3A = arith.constant 0 : i32
    %dma_start3A_5 = arith.constant 0 : i32
    %dma_start3A_6 = tpu.memref_slice %arg5[%dma_start3A, %dma_start3A_5] : memref<200x128xi32, #tpu.memory_space<vmem>> -> memref<1x128xi32, #tpu.memory_space<vmem>>
    %dma_start3A_7 = tpu.memref_squeeze %dma_start3A_6 : memref<1x128xi32, #tpu.memory_space<vmem>> -> memref<128xi32, #tpu.memory_space<vmem>>
    %dma_start3A_8 = arith.constant 0 : i32
    %dma_start3A_9 = arith.constant 0 : i32
    %dma_start3A_10 = tpu.memref_slice %arg6[%dma_start3A_8, %dma_start3A_9] : memref<398x128xf32, #tpu.memory_space<vmem_shared>> -> memref<398x128xf32, #tpu.memory_space<vmem_shared>>
    tpu.enqueue_indirect_dma source(%dma_start3A_10 : memref<398x128xf32, #tpu.memory_space<vmem_shared>>) target(%arg7 : memref<128x128xf32, #tpu.memory_space<vmem>>) offsets(%dma_start3A_7 : memref<128xi32, #tpu.memory_space<vmem>>) semaphore(%arg12 : memref<!tpu.dma_semaphore, #tpu.memory_space<semaphore_mem>>)
    %dma_start3A_11 = arith.constant 1 : i32
    %dma_start3A_12 = arith.constant 0 : i32
    %dma_start3A_13 = tpu.memref_slice %arg5[%dma_start3A_11, %dma_start3A_12] : memref<200x128xi32, #tpu.memory_space<vmem>> -> memref<1x128xi32, #tpu.memory_space<vmem>>
    %dma_start3A_14 = tpu.memref_squeeze %dma_start3A_13 : memref<1x128xi32, #tpu.memory_space<vmem>> -> memref<128xi32, #tpu.memory_space<vmem>>
    %dma_start3A_15 = arith.constant 0 : i32
    %dma_start3A_16 = arith.constant 0 : i32
    %dma_start3A_17 = tpu.memref_slice %arg6[%dma_start3A_15, %dma_start3A_16] : memref<398x128xf32, #tpu.memory_space<vmem_shared>> -> memref<398x128xf32, #tpu.memory_space<vmem_shared>>
    tpu.enqueue_indirect_dma source(%dma_start3A_17 : memref<398x128xf32, #tpu.memory_space<vmem_shared>>) target(%arg8 : memref<128x128xf32, #tpu.memory_space<vmem>>) offsets(%dma_start3A_14 : memref<128xi32, #tpu.memory_space<vmem>>) semaphore(%arg13 : memref<!tpu.dma_semaphore, #tpu.memory_space<semaphore_mem>>)
    %dma_start3A_18 = arith.constant 2 : i32
    %dma_start3A_19 = arith.constant 0 : i32
    %dma_start3A_20 = tpu.memref_slice %arg5[%dma_start3A_18, %dma_start3A_19] : memref<200x128xi32, #tpu.memory_space<vmem>> -> memref<1x128xi32, #tpu.memory_space<vmem>>
    %dma_start3A_21 = tpu.memref_squeeze %dma_start3A_20 : memref<1x128xi32, #tpu.memory_space<vmem>> -> memref<128xi32, #tpu.memory_space<vmem>>
    %dma_start3A_22 = arith.constant 0 : i32
    %dma_start3A_23 = arith.constant 0 : i32
    %dma_start3A_24 = tpu.memref_slice %arg6[%dma_start3A_22, %dma_start3A_23] : memref<398x128xf32, #tpu.memory_space<vmem_shared>> -> memref<398x128xf32, #tpu.memory_space<vmem_shared>>
    tpu.enqueue_indirect_dma source(%dma_start3A_24 : memref<398x128xf32, #tpu.memory_space<vmem_shared>>) target(%arg9 : memref<128x128xf32, #tpu.memory_space<vmem>>) offsets(%dma_start3A_21 : memref<128xi32, #tpu.memory_space<vmem>>) semaphore(%arg14 : memref<!tpu.dma_semaphore, #tpu.memory_space<semaphore_mem>>)
    %dma_start3A_25 = arith.constant 3 : i32
    %dma_start3A_26 = arith.constant 0 : i32
    %dma_start3A_27 = tpu.memref_slice %arg5[%dma_start3A_25, %dma_start3A_26] : memref<200x128xi32, #tpu.memory_space<vmem>> -> memref<1x128xi32, #tpu.memory_space<vmem>>
    %dma_start3A_28 = tpu.memref_squeeze %dma_start3A_27 : memref<1x128xi32, #tpu.memory_space<vmem>> -> memref<128xi32, #tpu.memory_space<vmem>>
    %dma_start3A_29 = arith.constant 0 : i32
    %dma_start3A_30 = arith.constant 0 : i32
    %dma_start3A_31 = tpu.memref_slice %arg6[%dma_start3A_29, %dma_start3A_30] : memref<398x128xf32, #tpu.memory_space<vmem_shared>> -> memref<398x128xf32, #tpu.memory_space<vmem_shared>>
    tpu.enqueue_indirect_dma source(%dma_start3A_31 : memref<398x128xf32, #tpu.memory_space<vmem_shared>>) target(%arg10 : memref<128x128xf32, #tpu.memory_space<vmem>>) offsets(%dma_start3A_28 : memref<128xi32, #tpu.memory_space<vmem>>) semaphore(%arg15 : memref<!tpu.dma_semaphore, #tpu.memory_space<semaphore_mem>>)
    %scan3A = arith.constant 0 : i32
    %scan3A_32 = arith.constant 0 : i32
    %scan3A_33 = arith.constant 40 : i32
    %scan3A_34 = arith.addi %scan3A_32, %scan3A_33 : i32
    %scan3A_35 = arith.constant 1 : i32
    scf.for %scan3A_66 = %scan3A_32 to %scan3A_34 step %scan3A_35  : i32 {
      %mul3A_67 = arith.constant 5 : i32
      %mul3A_68 = arith.muli %scan3A_66, %mul3A_67 : i32
      %add3A_69 = arith.constant 0 : i32
      %add3A_70 = arith.addi %mul3A_68, %add3A_69 : i32
      %dma_wait3A_71 = arith.constant 0 : i32
      %dma_wait3A_72 = tpu.memref_slice %arg5[%add3A_70, %dma_wait3A_71] : memref<200x128xi32, #tpu.memory_space<vmem>> -> memref<1x128xi32, #tpu.memory_space<vmem>>
      %dma_wait3A_73 = tpu.memref_squeeze %dma_wait3A_72 : memref<1x128xi32, #tpu.memory_space<vmem>> -> memref<128xi32, #tpu.memory_space<vmem>>
      %dma_wait3A_74 = arith.constant 0 : i32
      %dma_wait3A_75 = arith.constant 0 : i32
      %dma_wait3A_76 = tpu.memref_slice %arg6[%dma_wait3A_74, %dma_wait3A_75] : memref<398x128xf32, #tpu.memory_space<vmem_shared>> -> memref<398x128xf32, #tpu.memory_space<vmem_shared>>
      tpu.wait_indirect_dma semaphore(%arg12 : memref<!tpu.dma_semaphore, #tpu.memory_space<semaphore_mem>>) src(%dma_wait3A_76 : memref<398x128xf32, #tpu.memory_space<vmem_shared>>) dst(%arg7 : memref<128x128xf32, #tpu.memory_space<vmem>>)
      %mul3A_77 = arith.constant 128 : i32
      %mul3A_78 = arith.muli %add3A_70, %mul3A_77 : i32
      %add3A_79 = arith.addi %mul3A_2, %mul3A_78 : i32
      %dma_start3A_80 = arith.constant 0 : i32
      %dma_start3A_81 = tpu.memref_slice %arg4[%add3A_79, %dma_start3A_80] : memref<819200x128xf32, #tpu.memory_space<hbm>> -> memref<128x128xf32, #tpu.memory_space<hbm>>
      %dma_start3A_82 = arith.constant 0 : i32
      %dma_start3A_83 = tpu.memref_slice %arg4[%add3A_79, %dma_start3A_82] : memref<819200x128xf32, #tpu.memory_space<hbm>> -> memref<128x128xf32, #tpu.memory_space<hbm>>
      tpu.enqueue_dma source(%arg7 : memref<128x128xf32, #tpu.memory_space<vmem>>) target(%dma_start3A_83 : memref<128x128xf32, #tpu.memory_space<hbm>>) target_semaphore(%arg17 : memref<!tpu.dma_semaphore, #tpu.memory_space<semaphore_mem>>)
      %add3A_84 = arith.constant 5 : i32
      %add3A_85 = arith.addi %add3A_70, %add3A_84 : i32
      %sub3A = arith.constant 1 : i32
      %sub3A_86 = arith.subi %add3A_85, %sub3A : i32
      %lt3A = arith.constant 200 : i32
      %lt3A_87 = arith.cmpi slt, %sub3A_86, %lt3A : i32
      %gt3A = arith.constant 0 : i32
      %gt3A_88 = arith.cmpi sgt, %add3A_70, %gt3A : i32
      %and3A = arith.andi %lt3A_87, %gt3A_88 : i1
      %convert_element_type3A_89 = arith.extui %and3A : i1 to i32
      %cond3A_90 = arith.constant 0 : i32
      %cond3A_91 = arith.cmpi ne, %convert_element_type3A_89, %cond3A_90 : i32
      scf.if %cond3A_91 {
        %sub3A_248 = arith.constant 5 : i32
        %sub3A_249 = arith.subi %sub3A_86, %sub3A_248 : i32
        %mul3A_250 = arith.constant 128 : i32
        %mul3A_251 = arith.muli %sub3A_249, %mul3A_250 : i32
        %add3A_252 = arith.addi %mul3A_2, %mul3A_251 : i32
        %dma_wait3A_253 = arith.constant 0 : i32
        %dma_wait3A_254 = tpu.memref_slice %arg4[%add3A_252, %dma_wait3A_253] : memref<819200x128xf32, #tpu.memory_space<hbm>> -> memref<128x128xf32, #tpu.memory_space<hbm>>
        %dma_wait3A_255 = arith.constant 0 : i32
        %dma_wait3A_256 = tpu.memref_slice %arg4[%add3A_252, %dma_wait3A_255] : memref<819200x128xf32, #tpu.memory_space<hbm>> -> memref<128x128xf32, #tpu.memory_space<hbm>>
        tpu.wait_dma2 semaphore(%arg21 : memref<!tpu.dma_semaphore, #tpu.memory_space<semaphore_mem>>) src(%arg11 : memref<128x128xf32, #tpu.memory_space<vmem>>) dst(%dma_wait3A_256 : memref<128x128xf32, #tpu.memory_space<hbm>>)
        %dma_start3A_257 = arith.constant 0 : i32
        %dma_start3A_258 = tpu.memref_slice %arg5[%sub3A_86, %dma_start3A_257] : memref<200x128xi32, #tpu.memory_space<vmem>> -> memref<1x128xi32, #tpu.memory_space<vmem>>
        %dma_start3A_259 = tpu.memref_squeeze %dma_start3A_258 : memref<1x128xi32, #tpu.memory_space<vmem>> -> memref<128xi32, #tpu.memory_space<vmem>>
        %dma_start3A_260 = arith.constant 0 : i32
        %dma_start3A_261 = arith.constant 0 : i32
        %dma_start3A_262 = tpu.memref_slice %arg6[%dma_start3A_260, %dma_start3A_261] : memref<398x128xf32, #tpu.memory_space<vmem_shared>> -> memref<398x128xf32, #tpu.memory_space<vmem_shared>>
        tpu.enqueue_indirect_dma source(%dma_start3A_262 : memref<398x128xf32, #tpu.memory_space<vmem_shared>>) target(%arg11 : memref<128x128xf32, #tpu.memory_space<vmem>>) offsets(%dma_start3A_259 : memref<128xi32, #tpu.memory_space<vmem>>) semaphore(%arg16 : memref<!tpu.dma_semaphore, #tpu.memory_space<semaphore_mem>>)
      } else {
      }
      %lt3A_92 = arith.constant 200 : i32
      %lt3A_93 = arith.cmpi slt, %sub3A_86, %lt3A_92 : i32
      %eq3A_94 = arith.constant 0 : i32
      %eq3A_95 = arith.cmpi eq, %add3A_70, %eq3A_94 : i32
      %and3A_96 = arith.andi %lt3A_93, %eq3A_95 : i1
      %convert_element_type3A_97 = arith.extui %and3A_96 : i1 to i32
      %cond3A_98 = arith.constant 0 : i32
      %cond3A_99 = arith.cmpi ne, %convert_element_type3A_97, %cond3A_98 : i32
      scf.if %cond3A_99 {
        %dma_start3A_248 = arith.constant 0 : i32
        %dma_start3A_249 = tpu.memref_slice %arg5[%sub3A_86, %dma_start3A_248] : memref<200x128xi32, #tpu.memory_space<vmem>> -> memref<1x128xi32, #tpu.memory_space<vmem>>
        %dma_start3A_250 = tpu.memref_squeeze %dma_start3A_249 : memref<1x128xi32, #tpu.memory_space<vmem>> -> memref<128xi32, #tpu.memory_space<vmem>>
        %dma_start3A_251 = arith.constant 0 : i32
        %dma_start3A_252 = arith.constant 0 : i32
        %dma_start3A_253 = tpu.memref_slice %arg6[%dma_start3A_251, %dma_start3A_252] : memref<398x128xf32, #tpu.memory_space<vmem_shared>> -> memref<398x128xf32, #tpu.memory_space<vmem_shared>>
        tpu.enqueue_indirect_dma source(%dma_start3A_253 : memref<398x128xf32, #tpu.memory_space<vmem_shared>>) target(%arg11 : memref<128x128xf32, #tpu.memory_space<vmem>>) offsets(%dma_start3A_250 : memref<128xi32, #tpu.memory_space<vmem>>) semaphore(%arg16 : memref<!tpu.dma_semaphore, #tpu.memory_space<semaphore_mem>>)
      } else {
      }
      %mul3A_100 = arith.constant 5 : i32
      %mul3A_101 = arith.muli %scan3A_66, %mul3A_100 : i32
      %add3A_102 = arith.constant 1 : i32
      %add3A_103 = arith.addi %mul3A_101, %add3A_102 : i32
      %dma_wait3A_104 = arith.constant 0 : i32
      %dma_wait3A_105 = tpu.memref_slice %arg5[%add3A_103, %dma_wait3A_104] : memref<200x128xi32, #tpu.memory_space<vmem>> -> memref<1x128xi32, #tpu.memory_space<vmem>>
      %dma_wait3A_106 = tpu.memref_squeeze %dma_wait3A_105 : memref<1x128xi32, #tpu.memory_space<vmem>> -> memref<128xi32, #tpu.memory_space<vmem>>
      %dma_wait3A_107 = arith.constant 0 : i32
      %dma_wait3A_108 = arith.constant 0 : i32
      %dma_wait3A_109 = tpu.memref_slice %arg6[%dma_wait3A_107, %dma_wait3A_108] : memref<398x128xf32, #tpu.memory_space<vmem_shared>> -> memref<398x128xf32, #tpu.memory_space<vmem_shared>>
      tpu.wait_indirect_dma semaphore(%arg13 : memref<!tpu.dma_semaphore, #tpu.memory_space<semaphore_mem>>) src(%dma_wait3A_109 : memref<398x128xf32, #tpu.memory_space<vmem_shared>>) dst(%arg8 : memref<128x128xf32, #tpu.memory_space<vmem>>)
      %mul3A_110 = arith.constant 128 : i32
      %mul3A_111 = arith.muli %add3A_103, %mul3A_110 : i32
      %add3A_112 = arith.addi %mul3A_2, %mul3A_111 : i32
      %dma_start3A_113 = arith.constant 0 : i32
      %dma_start3A_114 = tpu.memref_slice %arg4[%add3A_112, %dma_start3A_113] : memref<819200x128xf32, #tpu.memory_space<hbm>> -> memref<128x128xf32, #tpu.memory_space<hbm>>
      %dma_start3A_115 = arith.constant 0 : i32
      %dma_start3A_116 = tpu.memref_slice %arg4[%add3A_112, %dma_start3A_115] : memref<819200x128xf32, #tpu.memory_space<hbm>> -> memref<128x128xf32, #tpu.memory_space<hbm>>
      tpu.enqueue_dma source(%arg8 : memref<128x128xf32, #tpu.memory_space<vmem>>) target(%dma_start3A_116 : memref<128x128xf32, #tpu.memory_space<hbm>>) target_semaphore(%arg18 : memref<!tpu.dma_semaphore, #tpu.memory_space<semaphore_mem>>)
      %add3A_117 = arith.constant 5 : i32
      %add3A_118 = arith.addi %add3A_103, %add3A_117 : i32
      %sub3A_119 = arith.constant 1 : i32
      %sub3A_120 = arith.subi %add3A_118, %sub3A_119 : i32
      %lt3A_121 = arith.constant 200 : i32
      %lt3A_122 = arith.cmpi slt, %sub3A_120, %lt3A_121 : i32
      %gt3A_123 = arith.constant 0 : i32
      %gt3A_124 = arith.cmpi sgt, %add3A_103, %gt3A_123 : i32
      %and3A_125 = arith.andi %lt3A_122, %gt3A_124 : i1
      %convert_element_type3A_126 = arith.extui %and3A_125 : i1 to i32
      %cond3A_127 = arith.constant 0 : i32
      %cond3A_128 = arith.cmpi ne, %convert_element_type3A_126, %cond3A_127 : i32
      scf.if %cond3A_128 {
        %sub3A_248 = arith.constant 5 : i32
        %sub3A_249 = arith.subi %sub3A_120, %sub3A_248 : i32
        %mul3A_250 = arith.constant 128 : i32
        %mul3A_251 = arith.muli %sub3A_249, %mul3A_250 : i32
        %add3A_252 = arith.addi %mul3A_2, %mul3A_251 : i32
        %dma_wait3A_253 = arith.constant 0 : i32
        %dma_wait3A_254 = tpu.memref_slice %arg4[%add3A_252, %dma_wait3A_253] : memref<819200x128xf32, #tpu.memory_space<hbm>> -> memref<128x128xf32, #tpu.memory_space<hbm>>
        %dma_wait3A_255 = arith.constant 0 : i32
        %dma_wait3A_256 = tpu.memref_slice %arg4[%add3A_252, %dma_wait3A_255] : memref<819200x128xf32, #tpu.memory_space<hbm>> -> memref<128x128xf32, #tpu.memory_space<hbm>>
        tpu.wait_dma2 semaphore(%arg17 : memref<!tpu.dma_semaphore, #tpu.memory_space<semaphore_mem>>) src(%arg7 : memref<128x128xf32, #tpu.memory_space<vmem>>) dst(%dma_wait3A_256 : memref<128x128xf32, #tpu.memory_space<hbm>>)
        %dma_start3A_257 = arith.constant 0 : i32
        %dma_start3A_258 = tpu.memref_slice %arg5[%sub3A_120, %dma_start3A_257] : memref<200x128xi32, #tpu.memory_space<vmem>> -> memref<1x128xi32, #tpu.memory_space<vmem>>
        %dma_start3A_259 = tpu.memref_squeeze %dma_start3A_258 : memref<1x128xi32, #tpu.memory_space<vmem>> -> memref<128xi32, #tpu.memory_space<vmem>>
        %dma_start3A_260 = arith.constant 0 : i32
        %dma_start3A_261 = arith.constant 0 : i32
        %dma_start3A_262 = tpu.memref_slice %arg6[%dma_start3A_260, %dma_start3A_261] : memref<398x128xf32, #tpu.memory_space<vmem_shared>> -> memref<398x128xf32, #tpu.memory_space<vmem_shared>>
        tpu.enqueue_indirect_dma source(%dma_start3A_262 : memref<398x128xf32, #tpu.memory_space<vmem_shared>>) target(%arg7 : memref<128x128xf32, #tpu.memory_space<vmem>>) offsets(%dma_start3A_259 : memref<128xi32, #tpu.memory_space<vmem>>) semaphore(%arg12 : memref<!tpu.dma_semaphore, #tpu.memory_space<semaphore_mem>>)
      } else {
      }
      %lt3A_129 = arith.constant 200 : i32
      %lt3A_130 = arith.cmpi slt, %sub3A_120, %lt3A_129 : i32
      %eq3A_131 = arith.constant 0 : i32
      %eq3A_132 = arith.cmpi eq, %add3A_103, %eq3A_131 : i32
      %and3A_133 = arith.andi %lt3A_130, %eq3A_132 : i1
      %convert_element_type3A_134 = arith.extui %and3A_133 : i1 to i32
      %cond3A_135 = arith.constant 0 : i32
      %cond3A_136 = arith.cmpi ne, %convert_element_type3A_134, %cond3A_135 : i32
      scf.if %cond3A_136 {
        %dma_start3A_248 = arith.constant 0 : i32
        %dma_start3A_249 = tpu.memref_slice %arg5[%sub3A_120, %dma_start3A_248] : memref<200x128xi32, #tpu.memory_space<vmem>> -> memref<1x128xi32, #tpu.memory_space<vmem>>
        %dma_start3A_250 = tpu.memref_squeeze %dma_start3A_249 : memref<1x128xi32, #tpu.memory_space<vmem>> -> memref<128xi32, #tpu.memory_space<vmem>>
        %dma_start3A_251 = arith.constant 0 : i32
        %dma_start3A_252 = arith.constant 0 : i32
        %dma_start3A_253 = tpu.memref_slice %arg6[%dma_start3A_251, %dma_start3A_252] : memref<398x128xf32, #tpu.memory_space<vmem_shared>> -> memref<398x128xf32, #tpu.memory_space<vmem_shared>>
        tpu.enqueue_indirect_dma source(%dma_start3A_253 : memref<398x128xf32, #tpu.memory_space<vmem_shared>>) target(%arg7 : memref<128x128xf32, #tpu.memory_space<vmem>>) offsets(%dma_start3A_250 : memref<128xi32, #tpu.memory_space<vmem>>) semaphore(%arg12 : memref<!tpu.dma_semaphore, #tpu.memory_space<semaphore_mem>>)
      } else {
      }
      %mul3A_137 = arith.constant 5 : i32
      %mul3A_138 = arith.muli %scan3A_66, %mul3A_137 : i32
      %add3A_139 = arith.constant 2 : i32
      %add3A_140 = arith.addi %mul3A_138, %add3A_139 : i32
      %dma_wait3A_141 = arith.constant 0 : i32
      %dma_wait3A_142 = tpu.memref_slice %arg5[%add3A_140, %dma_wait3A_141] : memref<200x128xi32, #tpu.memory_space<vmem>> -> memref<1x128xi32, #tpu.memory_space<vmem>>
      %dma_wait3A_143 = tpu.memref_squeeze %dma_wait3A_142 : memref<1x128xi32, #tpu.memory_space<vmem>> -> memref<128xi32, #tpu.memory_space<vmem>>
      %dma_wait3A_144 = arith.constant 0 : i32
      %dma_wait3A_145 = arith.constant 0 : i32
      %dma_wait3A_146 = tpu.memref_slice %arg6[%dma_wait3A_144, %dma_wait3A_145] : memref<398x128xf32, #tpu.memory_space<vmem_shared>> -> memref<398x128xf32, #tpu.memory_space<vmem_shared>>
      tpu.wait_indirect_dma semaphore(%arg14 : memref<!tpu.dma_semaphore, #tpu.memory_space<semaphore_mem>>) src(%dma_wait3A_146 : memref<398x128xf32, #tpu.memory_space<vmem_shared>>) dst(%arg9 : memref<128x128xf32, #tpu.memory_space<vmem>>)
      %mul3A_147 = arith.constant 128 : i32
      %mul3A_148 = arith.muli %add3A_140, %mul3A_147 : i32
      %add3A_149 = arith.addi %mul3A_2, %mul3A_148 : i32
      %dma_start3A_150 = arith.constant 0 : i32
      %dma_start3A_151 = tpu.memref_slice %arg4[%add3A_149, %dma_start3A_150] : memref<819200x128xf32, #tpu.memory_space<hbm>> -> memref<128x128xf32, #tpu.memory_space<hbm>>
      %dma_start3A_152 = arith.constant 0 : i32
      %dma_start3A_153 = tpu.memref_slice %arg4[%add3A_149, %dma_start3A_152] : memref<819200x128xf32, #tpu.memory_space<hbm>> -> memref<128x128xf32, #tpu.memory_space<hbm>>
      tpu.enqueue_dma source(%arg9 : memref<128x128xf32, #tpu.memory_space<vmem>>) target(%dma_start3A_153 : memref<128x128xf32, #tpu.memory_space<hbm>>) target_semaphore(%arg19 : memref<!tpu.dma_semaphore, #tpu.memory_space<semaphore_mem>>)
      %add3A_154 = arith.constant 5 : i32
      %add3A_155 = arith.addi %add3A_140, %add3A_154 : i32
      %sub3A_156 = arith.constant 1 : i32
      %sub3A_157 = arith.subi %add3A_155, %sub3A_156 : i32
      %lt3A_158 = arith.constant 200 : i32
      %lt3A_159 = arith.cmpi slt, %sub3A_157, %lt3A_158 : i32
      %gt3A_160 = arith.constant 0 : i32
      %gt3A_161 = arith.cmpi sgt, %add3A_140, %gt3A_160 : i32
      %and3A_162 = arith.andi %lt3A_159, %gt3A_161 : i1
      %convert_element_type3A_163 = arith.extui %and3A_162 : i1 to i32
      %cond3A_164 = arith.constant 0 : i32
      %cond3A_165 = arith.cmpi ne, %convert_element_type3A_163, %cond3A_164 : i32
      scf.if %cond3A_165 {
        %sub3A_248 = arith.constant 5 : i32
        %sub3A_249 = arith.subi %sub3A_157, %sub3A_248 : i32
        %mul3A_250 = arith.constant 128 : i32
        %mul3A_251 = arith.muli %sub3A_249, %mul3A_250 : i32
        %add3A_252 = arith.addi %mul3A_2, %mul3A_251 : i32
        %dma_wait3A_253 = arith.constant 0 : i32
        %dma_wait3A_254 = tpu.memref_slice %arg4[%add3A_252, %dma_wait3A_253] : memref<819200x128xf32, #tpu.memory_space<hbm>> -> memref<128x128xf32, #tpu.memory_space<hbm>>
        %dma_wait3A_255 = arith.constant 0 : i32
        %dma_wait3A_256 = tpu.memref_slice %arg4[%add3A_252, %dma_wait3A_255] : memref<819200x128xf32, #tpu.memory_space<hbm>> -> memref<128x128xf32, #tpu.memory_space<hbm>>
        tpu.wait_dma2 semaphore(%arg18 : memref<!tpu.dma_semaphore, #tpu.memory_space<semaphore_mem>>) src(%arg8 : memref<128x128xf32, #tpu.memory_space<vmem>>) dst(%dma_wait3A_256 : memref<128x128xf32, #tpu.memory_space<hbm>>)
        %dma_start3A_257 = arith.constant 0 : i32
        %dma_start3A_258 = tpu.memref_slice %arg5[%sub3A_157, %dma_start3A_257] : memref<200x128xi32, #tpu.memory_space<vmem>> -> memref<1x128xi32, #tpu.memory_space<vmem>>
        %dma_start3A_259 = tpu.memref_squeeze %dma_start3A_258 : memref<1x128xi32, #tpu.memory_space<vmem>> -> memref<128xi32, #tpu.memory_space<vmem>>
        %dma_start3A_260 = arith.constant 0 : i32
        %dma_start3A_261 = arith.constant 0 : i32
        %dma_start3A_262 = tpu.memref_slice %arg6[%dma_start3A_260, %dma_start3A_261] : memref<398x128xf32, #tpu.memory_space<vmem_shared>> -> memref<398x128xf32, #tpu.memory_space<vmem_shared>>
        tpu.enqueue_indirect_dma source(%dma_start3A_262 : memref<398x128xf32, #tpu.memory_space<vmem_shared>>) target(%arg8 : memref<128x128xf32, #tpu.memory_space<vmem>>) offsets(%dma_start3A_259 : memref<128xi32, #tpu.memory_space<vmem>>) semaphore(%arg13 : memref<!tpu.dma_semaphore, #tpu.memory_space<semaphore_mem>>)
      } else {
      }
      %lt3A_166 = arith.constant 200 : i32
      %lt3A_167 = arith.cmpi slt, %sub3A_157, %lt3A_166 : i32
      %eq3A_168 = arith.constant 0 : i32
      %eq3A_169 = arith.cmpi eq, %add3A_140, %eq3A_168 : i32
      %and3A_170 = arith.andi %lt3A_167, %eq3A_169 : i1
      %convert_element_type3A_171 = arith.extui %and3A_170 : i1 to i32
      %cond3A_172 = arith.constant 0 : i32
      %cond3A_173 = arith.cmpi ne, %convert_element_type3A_171, %cond3A_172 : i32
      scf.if %cond3A_173 {
        %dma_start3A_248 = arith.constant 0 : i32
        %dma_start3A_249 = tpu.memref_slice %arg5[%sub3A_157, %dma_start3A_248] : memref<200x128xi32, #tpu.memory_space<vmem>> -> memref<1x128xi32, #tpu.memory_space<vmem>>
        %dma_start3A_250 = tpu.memref_squeeze %dma_start3A_249 : memref<1x128xi32, #tpu.memory_space<vmem>> -> memref<128xi32, #tpu.memory_space<vmem>>
        %dma_start3A_251 = arith.constant 0 : i32
        %dma_start3A_252 = arith.constant 0 : i32
        %dma_start3A_253 = tpu.memref_slice %arg6[%dma_start3A_251, %dma_start3A_252] : memref<398x128xf32, #tpu.memory_space<vmem_shared>> -> memref<398x128xf32, #tpu.memory_space<vmem_shared>>
        tpu.enqueue_indirect_dma source(%dma_start3A_253 : memref<398x128xf32, #tpu.memory_space<vmem_shared>>) target(%arg8 : memref<128x128xf32, #tpu.memory_space<vmem>>) offsets(%dma_start3A_250 : memref<128xi32, #tpu.memory_space<vmem>>) semaphore(%arg13 : memref<!tpu.dma_semaphore, #tpu.memory_space<semaphore_mem>>)
      } else {
      }
      %mul3A_174 = arith.constant 5 : i32
      %mul3A_175 = arith.muli %scan3A_66, %mul3A_174 : i32
      %add3A_176 = arith.constant 3 : i32
      %add3A_177 = arith.addi %mul3A_175, %add3A_176 : i32
      %dma_wait3A_178 = arith.constant 0 : i32
      %dma_wait3A_179 = tpu.memref_slice %arg5[%add3A_177, %dma_wait3A_178] : memref<200x128xi32, #tpu.memory_space<vmem>> -> memref<1x128xi32, #tpu.memory_space<vmem>>
      %dma_wait3A_180 = tpu.memref_squeeze %dma_wait3A_179 : memref<1x128xi32, #tpu.memory_space<vmem>> -> memref<128xi32, #tpu.memory_space<vmem>>
      %dma_wait3A_181 = arith.constant 0 : i32
      %dma_wait3A_182 = arith.constant 0 : i32
      %dma_wait3A_183 = tpu.memref_slice %arg6[%dma_wait3A_181, %dma_wait3A_182] : memref<398x128xf32, #tpu.memory_space<vmem_shared>> -> memref<398x128xf32, #tpu.memory_space<vmem_shared>>
      tpu.wait_indirect_dma semaphore(%arg15 : memref<!tpu.dma_semaphore, #tpu.memory_space<semaphore_mem>>) src(%dma_wait3A_183 : memref<398x128xf32, #tpu.memory_space<vmem_shared>>) dst(%arg10 : memref<128x128xf32, #tpu.memory_space<vmem>>)
      %mul3A_184 = arith.constant 128 : i32
      %mul3A_185 = arith.muli %add3A_177, %mul3A_184 : i32
      %add3A_186 = arith.addi %mul3A_2, %mul3A_185 : i32
      %dma_start3A_187 = arith.constant 0 : i32
      %dma_start3A_188 = tpu.memref_slice %arg4[%add3A_186, %dma_start3A_187] : memref<819200x128xf32, #tpu.memory_space<hbm>> -> memref<128x128xf32, #tpu.memory_space<hbm>>
      %dma_start3A_189 = arith.constant 0 : i32
      %dma_start3A_190 = tpu.memref_slice %arg4[%add3A_186, %dma_start3A_189] : memref<819200x128xf32, #tpu.memory_space<hbm>> -> memref<128x128xf32, #tpu.memory_space<hbm>>
      tpu.enqueue_dma source(%arg10 : memref<128x128xf32, #tpu.memory_space<vmem>>) target(%dma_start3A_190 : memref<128x128xf32, #tpu.memory_space<hbm>>) target_semaphore(%arg20 : memref<!tpu.dma_semaphore, #tpu.memory_space<semaphore_mem>>)
      %add3A_191 = arith.constant 5 : i32
      %add3A_192 = arith.addi %add3A_177, %add3A_191 : i32
      %sub3A_193 = arith.constant 1 : i32
      %sub3A_194 = arith.subi %add3A_192, %sub3A_193 : i32
      %lt3A_195 = arith.constant 200 : i32
      %lt3A_196 = arith.cmpi slt, %sub3A_194, %lt3A_195 : i32
      %gt3A_197 = arith.constant 0 : i32
      %gt3A_198 = arith.cmpi sgt, %add3A_177, %gt3A_197 : i32
      %and3A_199 = arith.andi %lt3A_196, %gt3A_198 : i1
      %convert_element_type3A_200 = arith.extui %and3A_199 : i1 to i32
      %cond3A_201 = arith.constant 0 : i32
      %cond3A_202 = arith.cmpi ne, %convert_element_type3A_200, %cond3A_201 : i32
      scf.if %cond3A_202 {
        %sub3A_248 = arith.constant 5 : i32
        %sub3A_249 = arith.subi %sub3A_194, %sub3A_248 : i32
        %mul3A_250 = arith.constant 128 : i32
        %mul3A_251 = arith.muli %sub3A_249, %mul3A_250 : i32
        %add3A_252 = arith.addi %mul3A_2, %mul3A_251 : i32
        %dma_wait3A_253 = arith.constant 0 : i32
        %dma_wait3A_254 = tpu.memref_slice %arg4[%add3A_252, %dma_wait3A_253] : memref<819200x128xf32, #tpu.memory_space<hbm>> -> memref<128x128xf32, #tpu.memory_space<hbm>>
        %dma_wait3A_255 = arith.constant 0 : i32
        %dma_wait3A_256 = tpu.memref_slice %arg4[%add3A_252, %dma_wait3A_255] : memref<819200x128xf32, #tpu.memory_space<hbm>> -> memref<128x128xf32, #tpu.memory_space<hbm>>
        tpu.wait_dma2 semaphore(%arg19 : memref<!tpu.dma_semaphore, #tpu.memory_space<semaphore_mem>>) src(%arg9 : memref<128x128xf32, #tpu.memory_space<vmem>>) dst(%dma_wait3A_256 : memref<128x128xf32, #tpu.memory_space<hbm>>)
        %dma_start3A_257 = arith.constant 0 : i32
        %dma_start3A_258 = tpu.memref_slice %arg5[%sub3A_194, %dma_start3A_257] : memref<200x128xi32, #tpu.memory_space<vmem>> -> memref<1x128xi32, #tpu.memory_space<vmem>>
        %dma_start3A_259 = tpu.memref_squeeze %dma_start3A_258 : memref<1x128xi32, #tpu.memory_space<vmem>> -> memref<128xi32, #tpu.memory_space<vmem>>
        %dma_start3A_260 = arith.constant 0 : i32
        %dma_start3A_261 = arith.constant 0 : i32
        %dma_start3A_262 = tpu.memref_slice %arg6[%dma_start3A_260, %dma_start3A_261] : memref<398x128xf32, #tpu.memory_space<vmem_shared>> -> memref<398x128xf32, #tpu.memory_space<vmem_shared>>
        tpu.enqueue_indirect_dma source(%dma_start3A_262 : memref<398x128xf32, #tpu.memory_space<vmem_shared>>) target(%arg9 : memref<128x128xf32, #tpu.memory_space<vmem>>) offsets(%dma_start3A_259 : memref<128xi32, #tpu.memory_space<vmem>>) semaphore(%arg14 : memref<!tpu.dma_semaphore, #tpu.memory_space<semaphore_mem>>)
      } else {
      }
      %lt3A_203 = arith.constant 200 : i32
      %lt3A_204 = arith.cmpi slt, %sub3A_194, %lt3A_203 : i32
      %eq3A_205 = arith.constant 0 : i32
      %eq3A_206 = arith.cmpi eq, %add3A_177, %eq3A_205 : i32
      %and3A_207 = arith.andi %lt3A_204, %eq3A_206 : i1
      %convert_element_type3A_208 = arith.extui %and3A_207 : i1 to i32
      %cond3A_209 = arith.constant 0 : i32
      %cond3A_210 = arith.cmpi ne, %convert_element_type3A_208, %cond3A_209 : i32
      scf.if %cond3A_210 {
        %dma_start3A_248 = arith.constant 0 : i32
        %dma_start3A_249 = tpu.memref_slice %arg5[%sub3A_194, %dma_start3A_248] : memref<200x128xi32, #tpu.memory_space<vmem>> -> memref<1x128xi32, #tpu.memory_space<vmem>>
        %dma_start3A_250 = tpu.memref_squeeze %dma_start3A_249 : memref<1x128xi32, #tpu.memory_space<vmem>> -> memref<128xi32, #tpu.memory_space<vmem>>
        %dma_start3A_251 = arith.constant 0 : i32
        %dma_start3A_252 = arith.constant 0 : i32
        %dma_start3A_253 = tpu.memref_slice %arg6[%dma_start3A_251, %dma_start3A_252] : memref<398x128xf32, #tpu.memory_space<vmem_shared>> -> memref<398x128xf32, #tpu.memory_space<vmem_shared>>
        tpu.enqueue_indirect_dma source(%dma_start3A_253 : memref<398x128xf32, #tpu.memory_space<vmem_shared>>) target(%arg9 : memref<128x128xf32, #tpu.memory_space<vmem>>) offsets(%dma_start3A_250 : memref<128xi32, #tpu.memory_space<vmem>>) semaphore(%arg14 : memref<!tpu.dma_semaphore, #tpu.memory_space<semaphore_mem>>)
      } else {
      }
      %mul3A_211 = arith.constant 5 : i32
      %mul3A_212 = arith.muli %scan3A_66, %mul3A_211 : i32
      %add3A_213 = arith.constant 4 : i32
      %add3A_214 = arith.addi %mul3A_212, %add3A_213 : i32
      %dma_wait3A_215 = arith.constant 0 : i32
      %dma_wait3A_216 = tpu.memref_slice %arg5[%add3A_214, %dma_wait3A_215] : memref<200x128xi32, #tpu.memory_space<vmem>> -> memref<1x128xi32, #tpu.memory_space<vmem>>
      %dma_wait3A_217 = tpu.memref_squeeze %dma_wait3A_216 : memref<1x128xi32, #tpu.memory_space<vmem>> -> memref<128xi32, #tpu.memory_space<vmem>>
      %dma_wait3A_218 = arith.constant 0 : i32
      %dma_wait3A_219 = arith.constant 0 : i32
      %dma_wait3A_220 = tpu.memref_slice %arg6[%dma_wait3A_218, %dma_wait3A_219] : memref<398x128xf32, #tpu.memory_space<vmem_shared>> -> memref<398x128xf32, #tpu.memory_space<vmem_shared>>
      tpu.wait_indirect_dma semaphore(%arg16 : memref<!tpu.dma_semaphore, #tpu.memory_space<semaphore_mem>>) src(%dma_wait3A_220 : memref<398x128xf32, #tpu.memory_space<vmem_shared>>) dst(%arg11 : memref<128x128xf32, #tpu.memory_space<vmem>>)
      %mul3A_221 = arith.constant 128 : i32
      %mul3A_222 = arith.muli %add3A_214, %mul3A_221 : i32
      %add3A_223 = arith.addi %mul3A_2, %mul3A_222 : i32
      %dma_start3A_224 = arith.constant 0 : i32
      %dma_start3A_225 = tpu.memref_slice %arg4[%add3A_223, %dma_start3A_224] : memref<819200x128xf32, #tpu.memory_space<hbm>> -> memref<128x128xf32, #tpu.memory_space<hbm>>
      %dma_start3A_226 = arith.constant 0 : i32
      %dma_start3A_227 = tpu.memref_slice %arg4[%add3A_223, %dma_start3A_226] : memref<819200x128xf32, #tpu.memory_space<hbm>> -> memref<128x128xf32, #tpu.memory_space<hbm>>
      tpu.enqueue_dma source(%arg11 : memref<128x128xf32, #tpu.memory_space<vmem>>) target(%dma_start3A_227 : memref<128x128xf32, #tpu.memory_space<hbm>>) target_semaphore(%arg21 : memref<!tpu.dma_semaphore, #tpu.memory_space<semaphore_mem>>)
      %add3A_228 = arith.constant 5 : i32
      %add3A_229 = arith.addi %add3A_214, %add3A_228 : i32
      %sub3A_230 = arith.constant 1 : i32
      %sub3A_231 = arith.subi %add3A_229, %sub3A_230 : i32
      %lt3A_232 = arith.constant 200 : i32
      %lt3A_233 = arith.cmpi slt, %sub3A_231, %lt3A_232 : i32
      %gt3A_234 = arith.constant 0 : i32
      %gt3A_235 = arith.cmpi sgt, %add3A_214, %gt3A_234 : i32
      %and3A_236 = arith.andi %lt3A_233, %gt3A_235 : i1
      %convert_element_type3A_237 = arith.extui %and3A_236 : i1 to i32
      %cond3A_238 = arith.constant 0 : i32
      %cond3A_239 = arith.cmpi ne, %convert_element_type3A_237, %cond3A_238 : i32
      scf.if %cond3A_239 {
        %sub3A_248 = arith.constant 5 : i32
        %sub3A_249 = arith.subi %sub3A_231, %sub3A_248 : i32
        %mul3A_250 = arith.constant 128 : i32
        %mul3A_251 = arith.muli %sub3A_249, %mul3A_250 : i32
        %add3A_252 = arith.addi %mul3A_2, %mul3A_251 : i32
        %dma_wait3A_253 = arith.constant 0 : i32
        %dma_wait3A_254 = tpu.memref_slice %arg4[%add3A_252, %dma_wait3A_253] : memref<819200x128xf32, #tpu.memory_space<hbm>> -> memref<128x128xf32, #tpu.memory_space<hbm>>
        %dma_wait3A_255 = arith.constant 0 : i32
        %dma_wait3A_256 = tpu.memref_slice %arg4[%add3A_252, %dma_wait3A_255] : memref<819200x128xf32, #tpu.memory_space<hbm>> -> memref<128x128xf32, #tpu.memory_space<hbm>>
        tpu.wait_dma2 semaphore(%arg20 : memref<!tpu.dma_semaphore, #tpu.memory_space<semaphore_mem>>) src(%arg10 : memref<128x128xf32, #tpu.memory_space<vmem>>) dst(%dma_wait3A_256 : memref<128x128xf32, #tpu.memory_space<hbm>>)
        %dma_start3A_257 = arith.constant 0 : i32
        %dma_start3A_258 = tpu.memref_slice %arg5[%sub3A_231, %dma_start3A_257] : memref<200x128xi32, #tpu.memory_space<vmem>> -> memref<1x128xi32, #tpu.memory_space<vmem>>
        %dma_start3A_259 = tpu.memref_squeeze %dma_start3A_258 : memref<1x128xi32, #tpu.memory_space<vmem>> -> memref<128xi32, #tpu.memory_space<vmem>>
        %dma_start3A_260 = arith.constant 0 : i32
        %dma_start3A_261 = arith.constant 0 : i32
        %dma_start3A_262 = tpu.memref_slice %arg6[%dma_start3A_260, %dma_start3A_261] : memref<398x128xf32, #tpu.memory_space<vmem_shared>> -> memref<398x128xf32, #tpu.memory_space<vmem_shared>>
        tpu.enqueue_indirect_dma source(%dma_start3A_262 : memref<398x128xf32, #tpu.memory_space<vmem_shared>>) target(%arg10 : memref<128x128xf32, #tpu.memory_space<vmem>>) offsets(%dma_start3A_259 : memref<128xi32, #tpu.memory_space<vmem>>) semaphore(%arg15 : memref<!tpu.dma_semaphore, #tpu.memory_space<semaphore_mem>>)
      } else {
      }
      %lt3A_240 = arith.constant 200 : i32
      %lt3A_241 = arith.cmpi slt, %sub3A_231, %lt3A_240 : i32
      %eq3A_242 = arith.constant 0 : i32
      %eq3A_243 = arith.cmpi eq, %add3A_214, %eq3A_242 : i32
      %and3A_244 = arith.andi %lt3A_241, %eq3A_243 : i1
      %convert_element_type3A_245 = arith.extui %and3A_244 : i1 to i32
      %cond3A_246 = arith.constant 0 : i32
      %cond3A_247 = arith.cmpi ne, %convert_element_type3A_245, %cond3A_246 : i32
      scf.if %cond3A_247 {
        %dma_start3A_248 = arith.constant 0 : i32
        %dma_start3A_249 = tpu.memref_slice %arg5[%sub3A_231, %dma_start3A_248] : memref<200x128xi32, #tpu.memory_space<vmem>> -> memref<1x128xi32, #tpu.memory_space<vmem>>
        %dma_start3A_250 = tpu.memref_squeeze %dma_start3A_249 : memref<1x128xi32, #tpu.memory_space<vmem>> -> memref<128xi32, #tpu.memory_space<vmem>>
        %dma_start3A_251 = arith.constant 0 : i32
        %dma_start3A_252 = arith.constant 0 : i32
        %dma_start3A_253 = tpu.memref_slice %arg6[%dma_start3A_251, %dma_start3A_252] : memref<398x128xf32, #tpu.memory_space<vmem_shared>> -> memref<398x128xf32, #tpu.memory_space<vmem_shared>>
        tpu.enqueue_indirect_dma source(%dma_start3A_253 : memref<398x128xf32, #tpu.memory_space<vmem_shared>>) target(%arg10 : memref<128x128xf32, #tpu.memory_space<vmem>>) offsets(%dma_start3A_250 : memref<128xi32, #tpu.memory_space<vmem>>) semaphore(%arg15 : memref<!tpu.dma_semaphore, #tpu.memory_space<semaphore_mem>>)
      } else {
      }
    }
    %scan3A_36 = arith.constant 40 : i32
    %add3A_37 = arith.constant 24960 : i32
    %add3A_38 = arith.addi %mul3A_2, %add3A_37 : i32
    %dma_wait3A = arith.constant 0 : i32
    %dma_wait3A_39 = tpu.memref_slice %arg4[%add3A_38, %dma_wait3A] : memref<819200x128xf32, #tpu.memory_space<hbm>> -> memref<128x128xf32, #tpu.memory_space<hbm>>
    %dma_wait3A_40 = arith.constant 0 : i32
    %dma_wait3A_41 = tpu.memref_slice %arg4[%add3A_38, %dma_wait3A_40] : memref<819200x128xf32, #tpu.memory_space<hbm>> -> memref<128x128xf32, #tpu.memory_space<hbm>>
    tpu.wait_dma2 semaphore(%arg17 : memref<!tpu.dma_semaphore, #tpu.memory_space<semaphore_mem>>) src(%arg7 : memref<128x128xf32, #tpu.memory_space<vmem>>) dst(%dma_wait3A_41 : memref<128x128xf32, #tpu.memory_space<hbm>>)
    %add3A_42 = arith.constant 25088 : i32
    %add3A_43 = arith.addi %mul3A_2, %add3A_42 : i32
    %dma_wait3A_44 = arith.constant 0 : i32
    %dma_wait3A_45 = tpu.memref_slice %arg4[%add3A_43, %dma_wait3A_44] : memref<819200x128xf32, #tpu.memory_space<hbm>> -> memref<128x128xf32, #tpu.memory_space<hbm>>
    %dma_wait3A_46 = arith.constant 0 : i32
    %dma_wait3A_47 = tpu.memref_slice %arg4[%add3A_43, %dma_wait3A_46] : memref<819200x128xf32, #tpu.memory_space<hbm>> -> memref<128x128xf32, #tpu.memory_space<hbm>>
    tpu.wait_dma2 semaphore(%arg18 : memref<!tpu.dma_semaphore, #tpu.memory_space<semaphore_mem>>) src(%arg8 : memref<128x128xf32, #tpu.memory_space<vmem>>) dst(%dma_wait3A_47 : memref<128x128xf32, #tpu.memory_space<hbm>>)
    %add3A_48 = arith.constant 25216 : i32
    %add3A_49 = arith.addi %mul3A_2, %add3A_48 : i32
    %dma_wait3A_50 = arith.constant 0 : i32
    %dma_wait3A_51 = tpu.memref_slice %arg4[%add3A_49, %dma_wait3A_50] : memref<819200x128xf32, #tpu.memory_space<hbm>> -> memref<128x128xf32, #tpu.memory_space<hbm>>
    %dma_wait3A_52 = arith.constant 0 : i32
    %dma_wait3A_53 = tpu.memref_slice %arg4[%add3A_49, %dma_wait3A_52] : memref<819200x128xf32, #tpu.memory_space<hbm>> -> memref<128x128xf32, #tpu.memory_space<hbm>>
    tpu.wait_dma2 semaphore(%arg19 : memref<!tpu.dma_semaphore, #tpu.memory_space<semaphore_mem>>) src(%arg9 : memref<128x128xf32, #tpu.memory_space<vmem>>) dst(%dma_wait3A_53 : memref<128x128xf32, #tpu.memory_space<hbm>>)
    %add3A_54 = arith.constant 25344 : i32
    %add3A_55 = arith.addi %mul3A_2, %add3A_54 : i32
    %dma_wait3A_56 = arith.constant 0 : i32
    %dma_wait3A_57 = tpu.memref_slice %arg4[%add3A_55, %dma_wait3A_56] : memref<819200x128xf32, #tpu.memory_space<hbm>> -> memref<128x128xf32, #tpu.memory_space<hbm>>
    %dma_wait3A_58 = arith.constant 0 : i32
    %dma_wait3A_59 = tpu.memref_slice %arg4[%add3A_55, %dma_wait3A_58] : memref<819200x128xf32, #tpu.memory_space<hbm>> -> memref<128x128xf32, #tpu.memory_space<hbm>>
    tpu.wait_dma2 semaphore(%arg20 : memref<!tpu.dma_semaphore, #tpu.memory_space<semaphore_mem>>) src(%arg10 : memref<128x128xf32, #tpu.memory_space<vmem>>) dst(%dma_wait3A_59 : memref<128x128xf32, #tpu.memory_space<hbm>>)
    %add3A_60 = arith.constant 25472 : i32
    %add3A_61 = arith.addi %mul3A_2, %add3A_60 : i32
    %dma_wait3A_62 = arith.constant 0 : i32
    %dma_wait3A_63 = tpu.memref_slice %arg4[%add3A_61, %dma_wait3A_62] : memref<819200x128xf32, #tpu.memory_space<hbm>> -> memref<128x128xf32, #tpu.memory_space<hbm>>
    %dma_wait3A_64 = arith.constant 0 : i32
    %dma_wait3A_65 = tpu.memref_slice %arg4[%add3A_61, %dma_wait3A_64] : memref<819200x128xf32, #tpu.memory_space<hbm>> -> memref<128x128xf32, #tpu.memory_space<hbm>>
    tpu.wait_dma2 semaphore(%arg21 : memref<!tpu.dma_semaphore, #tpu.memory_space<semaphore_mem>>) src(%arg11 : memref<128x128xf32, #tpu.memory_space<vmem>>) dst(%dma_wait3A_65 : memref<128x128xf32, #tpu.memory_space<hbm>>)
    return
  }
}

</mosaic_0001>

<sc_bundles>
// kernel: kernel.3.cloned.1.call-start
scs
__scs_entry_jumppad:
0x0: {  	(pc) =	sbr.rel $0x88, $3  }
0x1: {  	(tag) =	ssettag $0x0;
	lr =	simm.s32 $0x1  }
0x2: {  	[smem:$0x3F9F] =	sst lr;
	_ =	strace $0xD0000000  }
0x3: {  	_ = 	snop  }
0x4: {  	_ = 	snop  }
0x5: {  	_ = 	snop  }
0x6: {  	_ = 	snop  }
0x7: {  	_ = 	snop  }
__scs_overlays_trampoline_lowered:
0x8: {  	[smem:$0x3FAE] =	sst s0  }
0x9: {  	[smem:$0x3FAF] =	sst s1  }
0xa: {  	[smem:$0x3FB0] =	sst s2  }
0xb: {  	[smem:$0x3FB1] =	sst s3  }
0xc: {  	[smem:$0x3FB2] =	sst s4  }
0xd: {  	[smem:$0x3FB3] =	sst s5  }
0xe: {  	[smem:$0x3FB4] =	sst s6  }
0xf: {  	[smem:$0x3FB5] =	sst s7  }
0x10: {  	[smem:$0x3FB6] =	sst s8  }
0x11: {  	[smem:$0x3FB7] =	sst s9;
	s0 =	simm.s32 @!p0 $0x0  }
0x12: {  	s1 =	sld [smem:$0x3F9D];
	s0 =	simm.s32 @p0 $0x1  }
0x13: {  	[smem:$0x3FB8] =	sst s0;
	s0 =	simm.s32 @!p1 $0x0  }
0x14: {  	s2 =	sld [smem:$0x3F9C];
	s0 =	simm.s32 @p1 $0x1  }
0x15: {  	[smem:$0x3FB9] =	sst s0;
	s0 =	simm.s32 @!p2 $0x0  }
0x16: {  	s3 =	sld [smem:$0x3FDB];
	s0 =	simm.s32 @p2 $0x1  }
0x17: {  	s4 =	simm.s32 $0x1BF5;
	[smem:$0x3FBB] =	sst s0  }
0x18: {  	s0 =	sld [smem:$0x3F9E];
	_ =	swait.ge [sflag:s4], $0x0  }
0x19: {  	s7 =	sld [smem:$0x3F9F]  }
0x1a: {  	s8 =	sadd.s32 $0xFFFFE003, lr  }
0x1b: {  	s9 =	sadd.s32 $0xFFFFFEF7, lr;
	s5 =	simm.s32 $0xFFFFFFFF;
	p2 =	slt.u32 s8, $0xFFFFF086  }
0x1c: {  	p1 =	slt.u32 s9, $0xF7A;
	s5 =	simm.s32 @!p2 $0x0  }
0x1d: {  	s5 =	simm.s32 @p1 $0x1;
	p0 =	seq.s32 s7, s2  }
0x1e: {  	s7 =	smul.u32 @!p0 $0xF7A, s2;
	p2 =	seq.s32 @!p0 s5, $0x0  }
0x1f: {  	s9 =	smul.u32 $0xF7A, s1;
	s8 =	simm.s32 @!p0 $0x1BF5;
	p2 =	por !p2, p0  }
0x20: {  	[sflag:s8] =	ssyncset.s32 @!p0 $0xFFFFF086;
	s6 =	sadd.s32 @!p0 s3, s7;
	s7 =	simm.s32 @!p0 $0x108  }
0x21: {  	s3 =	sadd.s32 s3, s9;
	s6 =	sadd.s32 @!p0 $0x88, s6;
	s7 =	simm.s32 @p2 $0x1082  }
0x22: {  	[simem:s7], [sflag:s8] =	dma.local @!p0 [hbm:s6], $0xF7A  }
0x23: {  	s9 =	sor.u32 $0xD0000000, s2;
	s6 =	simm.s32 $0x108;
	_ =	swait.ge @!p0 [sflag:s8], $0x0  }
0x24: {  	s3 =	sadd.s32 $0x88, s3;
	s6 =	simm.s32 @!p1 $0x1082;
	[sflag:s4] =	ssyncset.s32 $0xFFFFF086  }
0x25: {  	[simem:s6], [sflag:s4] =	dma.local [hbm:s3], $0xF7A  }
0x26: {  	[smem:$0x3F9F] =	sst s1;
	(tag) =	ssettag s2;
	_ =	strace s9  }
0x27: {  	s1 =	sld [smem:$0x3FAF]  }
0x28: {  	s2 =	sld [smem:$0x3FB0]  }
0x29: {  	s4 =	sld [smem:$0x3FB2]  }
0x2a: {  	p0 =	seq.s32 s5, $0x0;
	s5 =	sld [smem:$0x3FB3]  }
0x2b: {  	s6 =	sld [smem:$0x3FB4]  }
0x2c: {  	s7 =	sld [smem:$0x3FB5]  }
0x2d: {  	s3 =	simm.s32 $0x108;
	s8 =	sld [smem:$0x3FB6]  }
0x2e: {  	s3 =	simm.s32 @!p0 $0x1082;
	s9 =	sld [smem:$0x3FB7]  }
0x2f: {  	lr =	sadd.s32 s0, s3;
	s0 =	sld [smem:$0x3FAE]  }
0x30: {  	s3 =	sld [smem:$0x3FB1]  }
0x31: {  	[smem:$0x3FBA] =	sst s10  }
0x32: {  	s10 =	sld [smem:$0x3FB8];
	_ =	sdelay $0x3  }
0x33: {  	p0 =	seq.s32 s10, $0x1;
	s10 =	sld [smem:$0x3FBA];
	_ =	sdelay $0x3  }
0x34: {  	[smem:$0x3FBA] =	sst s10  }
0x35: {  	s10 =	sld [smem:$0x3FB9];
	_ =	sdelay $0x3  }
0x36: {  	p1 =	seq.s32 s10, $0x1;
	s10 =	sld [smem:$0x3FBA];
	_ =	sdelay $0x3  }
0x37: {  	[smem:$0x3FBA] =	sst s10  }
0x38: {  	s10 =	sld [smem:$0x3FBB]  }
0x39: {  	_ = 	snop;
	(pc) =	sbr.ind lr, $3  }
0x3a: {  	_ = 	snop  }
0x3b: {  	_ = 	snop  }
0x3c: {  	p2 =	seq.s32 s10, $0x1;
	s10 =	sld [smem:$0x3FBA]  }
0x3d: {  	_ =	shalt  }
0x3e: {  	_ =	shalt  }
0x3f: {  	_ =	shalt  }
0x40: {  	_ =	shalt  }
0x41: {  	_ =	shalt  }
0x42: {  	_ =	shalt  }
0x43: {  	_ =	shalt  }
0x44: {  	_ =	shalt  }
0x45: {  	_ =	shalt  }
0x46: {  	_ =	shalt  }
0x47: {  	_ =	shalt  }
0x48: {  	_ =	shalt  }
0x49: {  	_ =	shalt  }
0x4a: {  	_ =	shalt  }
0x4b: {  	_ =	shalt  }
0x4c: {  	_ =	shalt  }
0x4d: {  	_ =	shalt  }
0x4e: {  	_ =	shalt  }
0x4f: {  	_ =	shalt  }
0x50: {  	_ =	shalt  }
0x51: {  	_ =	shalt  }
0x52: {  	_ =	shalt  }
0x53: {  	_ =	shalt  }
0x54: {  	_ =	shalt  }
0x55: {  	_ =	shalt  }
0x56: {  	_ =	shalt  }
0x57: {  	_ =	shalt  }
0x58: {  	_ =	shalt  }
0x59: {  	_ =	shalt  }
0x5a: {  	_ =	shalt  }
0x5b: {  	_ =	shalt  }
0x5c: {  	_ =	shalt  }
0x5d: {  	_ =	shalt  }
0x5e: {  	_ =	shalt  }
0x5f: {  	_ =	shalt  }
0x60: {  	_ =	shalt  }
0x61: {  	_ =	shalt  }
0x62: {  	_ =	shalt  }
0x63: {  	_ =	shalt  }
0x64: {  	_ =	shalt  }
0x65: {  	_ =	shalt  }
0x66: {  	_ =	shalt  }
0x67: {  	_ =	shalt  }
0x68: {  	_ =	shalt  }
0x69: {  	_ =	shalt  }
0x6a: {  	_ =	shalt  }
0x6b: {  	_ =	shalt  }
0x6c: {  	_ =	shalt  }
0x6d: {  	_ =	shalt  }
0x6e: {  	_ =	shalt  }
0x6f: {  	_ =	shalt  }
0x70: {  	_ =	shalt  }
0x71: {  	_ =	shalt  }
0x72: {  	_ =	shalt  }
0x73: {  	_ =	shalt  }
0x74: {  	_ =	shalt  }
0x75: {  	_ =	shalt  }
0x76: {  	_ =	shalt  }
0x77: {  	_ =	shalt  }
0x78: {  	_ =	shalt  }
0x79: {  	_ =	shalt  }
0x7a: {  	_ =	shalt  }
0x7b: {  	_ =	shalt  }
0x7c: {  	_ =	shalt  }
0x7d: {  	_ =	shalt  }
0x7e: {  	_ =	shalt  }
0x7f: {  	_ =	shalt  }
0x80: {  	_ =	shalt  }
0x81: {  	_ =	shalt  }
0x82: {  	_ =	shalt  }
0x83: {  	_ =	shalt  }
0x84: {  	_ =	shalt  }
0x85: {  	_ =	shalt  }
0x86: {  	_ =	shalt  }
0x87: {  	_ =	shalt  }
.Lfunc_end0:
.L_simem_size_0:
called_computation_lowered:
.L_overlay_start_0:
0x88: {  	s2 =	sld [smem:$0x3FD9]  }
0x89: {  	s3 =	sld [smem:$0x3FFE];
	_ =	sdelay $0x1  }
0x8a: {  	s1 =	srdreg.scid  }
0x8b: {  	s0 =	sand.u32 $0x1, s1  }
0x8c: {  	s17 =	sshll.u32 s0, $0xA;
	s2 =	sadd.s32 s3, s2  }
0x8d: {  	s2 =	sadd.s32 s2, s17  }
0x8e: {  	[smem:$0x3FC6] =	sst s2  }
0x8f: {  	_ = 	snop  }
0x90: {  	s2 =	sld [smem:$0x3FC8]  }
0x91: {  	s18 =	sld [smem:$0x3FD0];
	(tm) =	ssettm $0x1  }
0x92: {  	s4 =	sld [smem:$0x3FFB];
	_ =	sdelay $0x3  }
0x93: {  	_ =	strace s4  }
0x94: {  	s4 =	sld [smem:$0x3FFC];
	_ =	sdelay $0x3  }
0x95: {  	_ =	strace s4  }
0x96: {  	s4 =	sld [smem:$0x3FFD];
	_ =	sdelay $0x3  }
0x97: {  	_ =	strace s4  }
0x98: {  	_ =	strace $0x8FFFFFFF  }
0x99: {  	s19 =	sld [smem:$0x3FDB];
	_ =	sdelay $0x1  }
0x9a: {  	s5 =	simm.s32 $_scs_section_size  }
0x9b: {  	s6 =	simm.s32 $_size__tile_overlayer_lowered;
	s7 =	simm.s32 $_tile_overlayer_lowered  }
0x9c: {  	s22 =	simm.s32 $0x1BFF;
	s21 =	sshll.u32 s7, $0x1;
	s4 =	sadd.s32 s5, s19  }
0x9d: {  	s8 =	simm.s32 $0x0;
	s20 =	sshll.u32 s6, $0x1;
	s6 =	sadd.s32 s21, s4  }
0x9e: {  	[timem:s8], [sflag:s22] =	dma.local [hbm:s6], s20  }
0x9f: {  	_ =	swait.ge [sflag:s22], s20  }
0xa0: {  	s5 =	ssub.s32 $0x0, s20;
	[sflag:s22] =	ssyncset.done $0x0  }
0xa1: {  	[sflag:s22] =	ssyncadd.s32 s5;
	_ =	sdelay $0x1  }
0xa2: {  	s23 =	simm.s32 $0x1B8B  }
0xa3: {  	_ =	swait.ge [sflag:s23], $0x1  }
0xa4: {  	[sflag:s23] =	ssyncset.done $0x0  }
0xa5: {  	s25 =	simm.s32 $0x1B8E;
	s24 =	sld [smem:$0x3FFE];
	[sflag:s23] =	ssyncadd.s32 $0xFFFFFFFF  }
0xa6: {  	s26 =	simm.s32 $execute0_lowered;
	[smem:$0x3FD2] =	sst s25  }
0xa7: {  	s6 =	sshll.u32 s26, $0x1;
	_ =	strace $0x80000046;
	[dreg:$0x1] =	wrdreg $0xFFFFFFFF  }
0xa8: {  	s28 =	simm.s32 $_size_execute0_lowered;
	s4 =	sadd.s32 s4, s6;
	[dreg:$0x0] =	wrdreg $0x0  }
0xa9: {  	s6 =	sshll.u32 s28, $0x1;
	[dreg:$0x2] =	wrdreg s4  }
0xaa: {  	[dreg:$0x3] =	wrdreg s6  }
0xab: {  	[dreg:$0x4] =	wrdreg $0xC0  }
0xac: {  	_ =	task [dreg:s8], $0x5FFFF  }
0xad: {  	[dreg:$0x1] =	wrdreg $0xFFFFFFFF  }
0xae: {  	[dreg:$0x0] =	wrdreg $0x60  }
0xaf: {  	[dreg:$0x2] =	wrdreg s24  }
0xb0: {  	[dreg:$0x3] =	wrdreg s2  }
0xb1: {  	[dreg:$0x4] =	wrdreg s18  }
0xb2: {  	[dreg:$0x5] =	wrdreg $0x64000  }
0xb3: {  	[dreg:$0x6] =	wrdreg $0x9  }
0xb4: {  	_ =	task.clear_ibuf [dreg:s8], $0x7FFFF;
	_ =	strace $0x90000046  }
0xb5: {  	s29 =	simm.s32 $0x9;
	_ =	strace $0x80000048  }
0xb6: {  	_ =	swait.ge [sflag:s29], $0x1  }
0xb7: {  	[sflag:s29] =	ssyncadd.s32 $0xFFFFFFFF  }
0xb8: {  	_ =	strace $0x90000048  }
0xb9: {  	_ =	sfence  }
0xba: {  	s30 =	sld [smem:$0x0];
	_ =	sdelay $0x2  }
0xbb: {  	s31 =	sshll.u32 s1, $0xD;
	s1 =	sshrl.u32 s1, $0x2  }
0xbc: {  	s3 =	sand.u32 $0x4000, s31;
	s1 =	sadd.s32 s1, s30  }
0xbd: {  	s0 =	sor.u32 s3, s0;
	s1 =	sshll.u32 s1, $0x11  }
0xbe: {  	s0 =	sor.u32 s1, s0  }
0xbf: {  	s0 =	sadd.s32 $0x8F2B, s0  }
0xc0: {  	[sflag:s0] =	ssyncadd.remote.s32 $0x1  }
0xc1: {  	_ =	sfence.sel $0xFFFF  }
0xc2: {  	[dreg:$0x0] =	wrdreg $0xFFFFFFFF;
	(pc) =	sbr.abs _section_cstart, $3  }
0xc3: {  	[dreg:$0x1] =	wrdreg $0xFFFFFFFF  }
0xc4: {  	_ =	task.clear_ibuf [dreg:s8], $0x2FFFF;
	_ =	strace $0x9FFFFFFF  }
0xc5: {  	(tm) =	ssettm $0x7FFFFFFF  }
tec
execute0_lowered:
.L_overlay_start_1:
0x0: {  	(tag) =	ssettag $0x1  }
0x1: {  	s0 =	rddreg [dreg:$0x0]  }
0x2: {  	s1 =	srdreg.scid;
	s7 =	rddreg [dreg:$0x2]  }
0x3: {  	s5 =	stileid.u32;
	s2 =	rddreg [dreg:$0x3]  }
0x4: {  	s13 =	simm.s32 $0xB;
	s14 =	simm.s32 $0x80;
	s15 =	simm.s32 $0x7070  }
0x5: {  	s16 =	simm.s32 $0xB070;
	s28 =	simm.s32 $0x7;
	s29 =	simm.s32 $0x8  }
0x6: {  	s30 =	simm.s32 $0x9;
	s31 =	simm.s32 $0xA;
	s8 =	smul.u32 $0x640000, s5  }
0x7: {  	s1 =	sand.u32 $0x1, s1;
	s3 =	sshll.u32 s5, $0x1;
	s23 =	smul.u32 $0xC8000, s5  }
0x8: {  	p0 =	sne.s32 s5, $0x0;
	s4 =	sor.u32 s1, s3;
	s10 =	smul.u32 $0x320000, s1  }
0x9: {  	s3 =	simm.s32 $0x0;
	s9 =	ssub.s32 $0x2, s1;
	s1 =	smul.u32 $0x64000, s1  }
0xa: {  	s6 =	smul.u32 $0x6400, s4;
	[smem:$0x7FF] =	sst s3;
	s11 =	sshrl.u32 s9, $0x1  }
0xb: {  	s4 =	smul.u32 $0x320000, s4;
	s25 =	sadd.s32 s23, s7;
	s23 =	simm.s32 $0x2  }
0xc: {  	_ =	strace $0x80000047;
	s17 =	ssub.s32 s9, s11;
	s8 =	sadd.s32 s10, s8  }
0xd: {  	s6 =	sshrl.u32 s6, $0x3;
	s18 =	sshrl.u32 s4, $0x3;
	s19 =	sor.u32 $0xC000, s8  }
0xe: {  	s21 =	sor.u32 $0x8000, s8;
	s22 =	sor.u32 $0x4000, s8;
	s8 =	sor.u32 $0x10000, s8  }
0xf: {  	s0 =	sadd.s32 s6, s0;
	s6 =	smax.u32 s17, $0x1;
	s4 =	sshrl.u32 s19, $0x3  }
0x10: {  	s24 =	sshrl.u32 s22, $0x3;
	s0 =	sadd.s32 $0x400, s0;
	[dreg:$0x6] =	wrdreg s6  }
0x11: {  	s26 =	sshrl.u32 s8, $0x3;
	s20 =	sadd.s32 s4, s7;
	[dreg:$0x5] =	wrdreg s0  }
0x12: {  	s22 =	simm.s32 $0x17070;
	s0 =	sadd.s32 s7, s18;
	[dreg:$0x7] =	wrdreg s20  }
0x13: {  	s20 =	simm.s32 $0x13070;
	s6 =	sadd.s32 $0x62800, s0;
	s0 =	sshrl.u32 s21, $0x3  }
.Ltmp0:
0x14: {  	s21 =	simm.s32 $0x1;
	s0 =	sadd.s32 s0, s7;
	(pc) =	sbr.rel .LBB2_1-.Ltmp0, $4  }
0x15: {  	[dreg:$0x8] =	wrdreg s0;
	s0 =	sadd.s32 s24, s7;
	s24 =	simm.s32 $0x4  }
0x16: {  	[dreg:$0x9] =	wrdreg s0;
	s0 =	sadd.s32 s1, s25;
	s1 =	sshrl.u32 @!p0 s2, $0x3  }
0x17: {  	s25 =	simm.s32 $0x5;
	[dreg:$0xa] =	wrdreg s0;
	s0 =	sadd.s32 s26, s7  }
0x18: {  	[dreg:$0xb] =	wrdreg s1;
	s26 =	simm.s32 $0x6;
	s1 =	simm.s32 $0x0  }
.LBB2_4:
0x19: {  	_ =	swait.ge [sflag:s26], $0x4000  }
0x1a: {  	[sflag:s26] =	ssyncset.done $0x0  }
0x1b: {  	[sflag:s26] =	ssyncadd.s32 $0xFFFFC000  }
0x1c: {  	_ =	swait.ge [sflag:s28], $0x4000  }
0x1d: {  	[sflag:s28] =	ssyncset.done $0x0  }
0x1e: {  	[sflag:s28] =	ssyncadd.s32 $0xFFFFC000  }
0x1f: {  	_ =	swait.ge [sflag:s29], $0x4000  }
0x20: {  	[sflag:s29] =	ssyncset.done $0x0  }
0x21: {  	[sflag:s29] =	ssyncadd.s32 $0xFFFFC000  }
0x22: {  	_ =	swait.ge [sflag:s30], $0x4000  }
0x23: {  	[sflag:s30] =	ssyncset.done $0x0  }
0x24: {  	[sflag:s30] =	ssyncadd.s32 $0xFFFFC000  }
0x25: {  	_ =	swait.ge [sflag:s31], $0x4000  }
0x26: {  	s1 =	sadd.s32 $0x1, s1;
	s4 =	rddreg [dreg:$0x6]  }
0x27: {  	p1 =	sne.s32 s1, s4  }
.Ltmp1:
0x28: {  	_ = 	snop;
	(pc) =	sbr.rel @!p1 .LBB2_5-.Ltmp1, $3  }
0x29: {  	_ =	sdelay $0x1  }
0x2a: {  	[sflag:s31] =	ssyncset.done $0x0  }
0x2b: {  	[sflag:s31] =	ssyncadd.s32 $0xFFFFC000  }
.LBB2_1:
0x2c: {  	s4 =	rddreg [dreg:$0x1]  }
0x2d: {  	s5 =	simm.s32 @!p0 $0x1C0B;
	s7 =	rddreg [dreg:$0xb]  }
0x2e: {  	[spmem:s7], [sflag:s5] =	dma.local @!p0 [hbm:s4], $0x18E0  }
0x2f: {  	s5 =	simm.s32 @!p0 $0xB  }
0x30: {  	_ =	swait.ge @!p0 [sflag:s5], $0x18E0  }
0x31: {  	[sflag:s5] =	ssyncset.done @!p0 $0x0  }
0x32: {  	s12 =	rddreg [dreg:$0x5];
	[sflag:s5] =	ssyncadd.s32 @!p0 $0xFFFFE720  }
0x33: {  	[tilespmem:s3], [sflag:$0xB] =	stream.linear.gather [hbm4b:s12+s3], $0x6400, $0x38;
	[tilespmem:$0x1B070] =	vst v63  }
0x34: {  	_ =	swait.ge [sflag:s13], $0x6400  }
0x35: {  	[sflag:s13] =	ssyncset.done $0x0  }
0x36: {  	[sflag:s13] =	ssyncadd.s32 $0xFFFF9C00  }
0x37: {  	[bflag:$0x0] =	sbarrier.arrive $0xFFFF  }
0x38: {  	[tilespmem:s15], [sflag:$0x1] =	stream.indirect.gather [spmem:s2], $0x80, s3, s14, $0xb8;
	[tilespmem:$0x1B070] =	vst v63  }
0x39: {  	s10 =	rddreg [dreg:$0xa]  }
0x3a: {  	s17 =	simm.s32 $0x100;
	s9 =	rddreg [dreg:$0x9]  }
0x3b: {  	[tilespmem:s16], [sflag:$0x2] =	stream.indirect.gather [spmem:s2], $0x80, s14, s14, $0xb8;
	[tilespmem:$0x1B070] =	vst v63  }
0x3c: {  	s18 =	simm.s32 $0xF070;
	s19 =	simm.s32 $0x180;
	s8 =	rddreg [dreg:$0x8]  }
0x3d: {  	[tilespmem:s18], [sflag:$0x3] =	stream.indirect.gather [spmem:s2], $0x80, s17, s14, $0xb8;
	[tilespmem:$0x1B070] =	vst v63  }
0x3e: {  	s11 =	smov.u32 s0;
	s5 =	simm.s32 $0x0;
	s7 =	rddreg [dreg:$0x7]  }
0x3f: {  	[tilespmem:s20], [sflag:$0x4] =	stream.indirect.gather [spmem:s2], $0x80, s19, s14, $0xb8;
	[tilespmem:$0x1B070] =	vst v63  }
.LBB2_2:
0x40: {  	_ =	swait.ge [sflag:s21], $0x4000  }
0x41: {  	p1 =	seq.s32 s5, $0x0;
	[sflag:s21] =	ssyncset.done $0x0  }
0x42: {  	s4 =	simm.s32 @!p1 $0xA;
	[sflag:s21] =	ssyncadd.s32 $0xFFFFC000  }
0x43: {  	[hbm4b:s10+s3] =	stream.linear.scatter [tilespmem:s15], [sflag:$0x6], $0x4000, $0x38;
	[tilespmem:$0x1B070] =	vst v63  }
0x44: {  	s19 =	sshra.s32 @!p1 s5, $0x2;
	_ =	swait.ge @!p1 [sflag:s4], $0x4000  }
0x45: {  	s19 =	sadd.s32 @!p1 $0x200, s19;
	[sflag:s4] =	ssyncset.done @!p1 $0x0  }
0x46: {  	s19 =	simm.s32 @p1 $0x200;
	[sflag:s4] =	ssyncadd.s32 @!p1 $0xFFFFC000  }
0x47: {  	[tilespmem:s22], [sflag:$0x5] =	stream.indirect.gather [spmem:s2], $0x80, s19, s14, $0xb8;
	[tilespmem:$0x1B070] =	vst v63  }
0x48: {  	_ =	swait.ge [sflag:s23], $0x4000  }
0x49: {  	p1 =	seq.s32 s5, $0x18600;
	[sflag:s23] =	ssyncset.done $0x0  }
0x4a: {  	s4 =	simm.s32 @p1 $0x3;
	[sflag:s23] =	ssyncadd.s32 $0xFFFFC000  }
0x4b: {  	[hbm4b:s9+s3] =	stream.linear.scatter [tilespmem:s16], [sflag:$0x7], $0x4000, $0x38;
	[tilespmem:$0x1B070] =	vst v63  }
0x4c: {  	_ =	swait.ge @p1 [sflag:s4], $0x4000  }
0x4d: {  	[sflag:s4] =	ssyncset.done @p1 $0x0  }
0x4e: {  	s19 =	simm.s32 @p1 $0xF070;
	[sflag:s4] =	ssyncadd.s32 @p1 $0xFFFFC000;
	s4 =	simm.s32 @p1 $0x0  }
0x4f: {  	[hbm4b:s6+s4] =	stream.linear.scatter @p1 [tilespmem:s19], [sflag:$0x8], $0x4000, $0x38;
	[tilespmem:$0x1B070] =	vst v63  }
0x50: {  	s4 =	simm.s32 @!p1 $0x6  }
0x51: {  	_ =	swait.ge @!p1 [sflag:s4], $0x4000  }
0x52: {  	[sflag:s4] =	ssyncset.done @!p1 $0x0  }
0x53: {  	[sflag:s4] =	ssyncadd.s32 @!p1 $0xFFFFC000;
	s4 =	sshra.s32 @!p1 s5, $0x2  }
0x54: {  	s18 =	simm.s32 @!p1 $0x80;
	s17 =	simm.s32 @!p1 $0x7070;
	s19 =	sadd.s32 @!p1 $0x280, s4  }
0x55: {  	[tilespmem:s17], [sflag:$0x1] =	stream.indirect.gather @!p1 [spmem:s2], $0x80, s19, s18, $0xb8;
	[tilespmem:$0x1B070] =	vst v63  }
0x56: {  	s17 =	simm.s32 @!p1 $0x3  }
0x57: {  	_ =	swait.ge @!p1 [sflag:s17], $0x4000  }
0x58: {  	[sflag:s17] =	ssyncset.done @!p1 $0x0  }
0x59: {  	s19 =	simm.s32 @!p1 $0xF070;
	[sflag:s17] =	ssyncadd.s32 @!p1 $0xFFFFC000;
	s17 =	simm.s32 @!p1 $0x0  }
0x5a: {  	[hbm4b:s8+s17] =	stream.linear.scatter @!p1 [tilespmem:s19], [sflag:$0x8], $0x4000, $0x38;
	[tilespmem:$0x1B070] =	vst v63  }
0x5b: {  	s17 =	simm.s32 @!p1 $0x7  }
0x5c: {  	_ =	swait.ge @!p1 [sflag:s17], $0x4000  }
0x5d: {  	[sflag:s17] =	ssyncset.done @!p1 $0x0  }
0x5e: {  	s12 =	simm.s32 @!p1 $0xB070;
	[sflag:s17] =	ssyncadd.s32 @!p1 $0xFFFFC000;
	s17 =	sadd.s32 @!p1 $0x300, s4  }
0x5f: {  	[tilespmem:s12], [sflag:$0x2] =	stream.indirect.gather @!p1 [spmem:s2], $0x80, s17, s18, $0xb8;
	[tilespmem:$0x1B070] =	vst v63  }
0x60: {  	_ =	swait.ge [sflag:s24], $0x4000  }
0x61: {  	[sflag:s24] =	ssyncset.done $0x0  }
0x62: {  	s12 =	simm.s32 @!p1 $0x8;
	[sflag:s24] =	ssyncadd.s32 $0xFFFFC000  }
0x63: {  	[hbm4b:s7+s3] =	stream.linear.scatter [tilespmem:s20], [sflag:$0x9], $0x4000, $0x38;
	[tilespmem:$0x1B070] =	vst v63  }
0x64: {  	_ =	swait.ge @!p1 [sflag:s12], $0x4000  }
0x65: {  	[sflag:s12] =	ssyncset.done @!p1 $0x0  }
0x66: {  	s4 =	sadd.s32 @!p1 $0x380, s4;
	[sflag:s12] =	ssyncadd.s32 @!p1 $0xFFFFC000  }
0x67: {  	[tilespmem:s19], [sflag:$0x3] =	stream.indirect.gather @!p1 [spmem:s2], $0x80, s4, s18, $0xb8;
	[tilespmem:$0x1B070] =	vst v63  }
.Ltmp2:
0x68: {  	_ = 	snop;
	(pc) =	sbr.rel @p1 .LBB2_4-.Ltmp2, $4  }
0x69: {  	_ =	swait.ge [sflag:s25], $0x4000  }
0x6a: {  	[sflag:s25] =	ssyncset.done $0x0  }
0x6b: {  	[sflag:s25] =	ssyncadd.s32 $0xFFFFC000  }
0x6c: {  	[hbm4b:s11+s3] =	stream.linear.scatter [tilespmem:s22], [sflag:$0xA], $0x4000, $0x38;
	[tilespmem:$0x1B070] =	vst v63  }
.Ltmp3:
0x6d: {  	_ =	swait.ge [sflag:s30], $0x4000;
	s4 =	sshra.s32 s5, $0x2;
	(pc) =	sbr.rel .LBB2_2-.Ltmp3, $4  }
0x6e: {  	s5 =	sadd.s32 $0xA00, s5;
	s7 =	sadd.s32 $0x2800, s7;
	s8 =	sadd.s32 $0x2800, s8  }
0x6f: {  	s9 =	sadd.s32 $0x2800, s9;
	s10 =	sadd.s32 $0x2800, s10;
	[sflag:s30] =	ssyncset.done $0x0  }
0x70: {  	s11 =	sadd.s32 $0x2800, s11;
	s4 =	sadd.s32 $0x400, s4;
	[sflag:s30] =	ssyncadd.s32 $0xFFFFC000  }
0x71: {  	[tilespmem:s20], [sflag:$0x4] =	stream.indirect.gather [spmem:s2], $0x80, s4, s14, $0xb8;
	[tilespmem:$0x1B070] =	vst v63  }
.LBB2_5:
0x72: {  	_ =	sfence.sel $0x180000  }
0x73: {  	[bflag:$0x0] =	sbarrier.arrive $0xFFFF  }
0x74: {  	_ =	strace $0x90000047  }
0x75: {  	[bflag:$0x2] =	sbarrier.arrive $0xFFFF  }
0x76: {  	s0 =	rddreg [dreg:$0x4]  }
0x77: {  	s0 =	sadd.s32 @!p0 $0x100000, s0  }
0x78: {  	[sflag:s0] =	ssyncadd.tile.s32 @!p0 $0x1;
	_ =	shalt  }
.Lfunc_end2:
_tile_overlayer_lowered:
.L_overlay_start_2:
0x79: {  	(tag) =	ssettag $0x2  }
0x7a: {  	s0 =	rddreg [dreg:$0x0];
	s2 =	stileid.u32  }
0x7b: {  	s1 =	rddreg [dreg:$0x1];
	p0 =	sne.s32 s2, $0x0  }
0x7c: {  	s3 =	rddreg [dreg:$0x2];
	[bflag:$0x3] =	sbarrier.arrive $0xFFFF;
	s2 =	simm.s32 @!p0 $0x1C0B  }
0x7d: {  	[timem:s3], [sflag:s2] =	dma.local @!p0 [hbm:s0], s1  }
0x7e: {  	s0 =	simm.s32 @!p0 $0xB  }
0x7f: {  	_ =	swait.ge @!p0 [sflag:s0], s1  }
0x80: {  	s1 =	ssub.s32 @!p0 $0x0, s1;
	[sflag:s0] =	ssyncset.done @!p0 $0x0  }
0x81: {  	[sflag:s0] =	ssyncadd.s32 @!p0 s1  }
0x82: {  	[bflag:$0x3] =	sbarrier.arrive $0xFFFF  }
0x83: {  	_ =	shalt  }

</sc_bundles>
